<compile_context>
chip_gen: v7x
topology: tpu7x:2x2x1
jax: 0.10.2.dev20260603
libtpu: 0.0.44.dev20260713+nightly
codegen_flags: <defaults>
</compile_context>

<pallas_src>
import functools

import jax
import jax.numpy as jnp
from jax import lax
from jax.experimental import pallas as pl
from jax.experimental.pallas import tpu as pltpu
from jax.experimental.pallas import tpu_sc as plsc

_B = 4096
_D = 128
_Q = 65536
_TAU = 0.1

_BI = 512
_BK = 2048
_NK = _B // _BK
_NI = _B // _BI

_NWORK = 32
_RW = _Q // _NWORK
_CH = 256
_NCH = _RW // _CH


def _norm(x):
    n = jnp.sqrt(jnp.sum(x * x, axis=1, keepdims=True))
    return x / jnp.maximum(n, 1e-12)



def _loss_kernel(fa_ref, f1_ref, f2_ref, f3_ref, f4_ref, w_ref,
                 loss_ref, proj_sc, f1_sc, f2_sc, f3_sc, f4_sc, n_acc, ll_acc):
    k = pl.program_id(0)
    i = pl.program_id(1)
    ni = pl.num_programs(1)

    scale = jnp.float32(1.4426950408889634 / _TAU)

    @pl.when(k == 0)
    def _():
        p = jnp.dot(_norm(fa_ref[...]), w_ref[...],
                    preferred_element_type=jnp.float32) * scale
        proj_sc[pl.ds(i * _BI, _BI), :] = p.astype(jnp.bfloat16)

    @pl.when(i == 0)
    def _():
        f1_sc[...] = _norm(f1_ref[...]).astype(jnp.bfloat16)
        f2_sc[...] = _norm(f2_ref[...]).astype(jnp.bfloat16)
        f3_sc[...] = _norm(f3_ref[...]).astype(jnp.bfloat16)
        f4_sc[...] = _norm(f4_ref[...]).astype(jnp.bfloat16)

    proj = proj_sc[pl.ds(i * _BI, _BI), :]

    def logits(f_sc):
        return jax.lax.dot_general(proj, f_sc[...], (((1,), (1,)), ((), ())),
                                   preferred_element_type=jnp.float32)

    e = (jnp.exp2(logits(f2_sc))
         + jnp.exp2(logits(f3_sc))
         + jnp.exp2(logits(f4_sc)))

    @pl.when(i == 0)
    def _():
        n_acc[...] = e

    @pl.when((i != 0) & (i != ni - 1))
    def _():
        n_acc[...] += e

    @pl.when(i // (_BK // _BI) == k)
    def _():
        half = (i % (_BK // _BI)) * _BI
        f1b = f1_sc[pl.ds(half, _BI), :]
        l1 = jax.lax.dot_general(proj, f1b, (((1,), (1,)), ((), ())),
                                 preferred_element_type=jnp.float32)
        ri = jax.lax.broadcasted_iota(jnp.int32, (_BI, _BI), 0)
        ci = jax.lax.broadcasted_iota(jnp.int32, (_BI, _BI), 1)
        diag = jnp.sum(jnp.where(ri == ci, l1, 0.0),
                       axis=0, keepdims=True)
        ll_acc[:, pl.ds(half, _BI)] = diag

    @pl.when(i == ni - 1)
    def _():
        tot = n_acc[...] + e
        s_neg = jnp.sum(tot, axis=0, keepdims=True)
        ll = jnp.exp2(ll_acc[...])
        loss_ref[...] = jnp.log(s_neg + ll) - jnp.log(ll)


def _loss_call(f_a, f_1, f_2, f_3, f_4, Wp84):
    return pl.pallas_call(
        _loss_kernel,
        grid=(_NK, _NI),
        in_specs=[
            pl.BlockSpec((_BI, _D),
                         lambda k, i: (jnp.where(k == 0, i, _NI - 1), 0)),
            pl.BlockSpec((_BK, _D), lambda k, i: (k, 0)),
            pl.BlockSpec((_BK, _D), lambda k, i: (k, 0)),
            pl.BlockSpec((_BK, _D), lambda k, i: (k, 0)),
            pl.BlockSpec((_BK, _D), lambda k, i: (k, 0)),
            pl.BlockSpec((_D, _D), lambda k, i: (0, 0)),
        ],
        out_specs=pl.BlockSpec((1, _BK), lambda k, i: (0, k)),
        scratch_shapes=[
            pltpu.VMEM((_B, _D), jnp.bfloat16),
            pltpu.VMEM((_BK, _D), jnp.bfloat16),
            pltpu.VMEM((_BK, _D), jnp.bfloat16),
            pltpu.VMEM((_BK, _D), jnp.bfloat16),
            pltpu.VMEM((_BK, _D), jnp.bfloat16),
            pltpu.VMEM((_BI, _BK), jnp.float32),
            pltpu.VMEM((1, _BK), jnp.float32),
        ],
        out_shape=jax.ShapeDtypeStruct((1, _B), jnp.float32),
    )(f_a, f_1, f_2, f_3, f_4, Wp84)



@functools.partial(
    pl.kernel,
    out_type=jax.ShapeDtypeStruct((_Q, _D), jnp.float32),
    mesh=plsc.VectorSubcoreMesh(core_axis_name="c", subcore_axis_name="s"),
    scratch_types=[
        pltpu.VMEM((_CH, _D), jnp.float32),
        pltpu.VMEM((16,), jnp.int32),
    ],
    compiler_params=pltpu.CompilerParams(needs_layout_passes=False),
)
def _queue_sc(ptr_hbm, fp_hbm, qin_hbm, qout_hbm, buf, pvec):
    wid = lax.axis_index("s") * 2 + lax.axis_index("c")
    pltpu.sync_copy(ptr_hbm, pvec)
    ptr = jnp.max(pvec[...])
    base0 = wid * _RW

    def chunk_body(c, carry):
        base = pl.multiple_of(base0 + c * _CH, _CH)
        fully_in = (base >= ptr) & (base + _CH <= ptr + _B)
        fully_out = (base + _CH <= ptr) | (base >= ptr + _B)

        @pl.when(fully_in)
        def _():
            off = pl.multiple_of(base - ptr, 8)
            pltpu.sync_copy(fp_hbm.at[pl.ds(off, _CH), :], buf)

        @pl.when(fully_out)
        def _():
            pltpu.sync_copy(qin_hbm.at[pl.ds(base, _CH), :], buf)

        @pl.when(jnp.logical_not(fully_in | fully_out))
        def _():
            def sub_body(r8, c2):
                g = pl.multiple_of(base + r8 * 8, 8)
                inside = (g >= ptr) & (g < ptr + _B)
                dst = buf.at[pl.ds(pl.multiple_of(r8 * 8, 8), 8), :]

                @pl.when(inside)
                def _():
                    off = pl.multiple_of(g - ptr, 8)
                    pltpu.sync_copy(fp_hbm.at[pl.ds(off, 8), :], dst)

                @pl.when(jnp.logical_not(inside))
                def _():
                    pltpu.sync_copy(qin_hbm.at[pl.ds(g, 8), :], dst)
                return c2

            lax.fori_loop(0, _CH // 8, sub_body, 0)

        pltpu.sync_copy(buf, qout_hbm.at[pl.ds(base, _CH), :])
        return carry

    lax.fori_loop(0, _NCH, chunk_body, 0)


def kernel(f_a, f_1, f_2, f_3, f_4, feat_p, Wp84, p_queue84, ptr):
    ptr_vec = jnp.broadcast_to(jnp.asarray(ptr, jnp.int32), (16,))
    new_queue = _queue_sc(ptr_vec, feat_p, p_queue84)
    loss2d = _loss_call(f_a, f_1, f_2, f_3, f_4, Wp84)
    return loss2d.reshape((_B,)), new_queue

# --- scband reference (transcript-rebuilt; emitter-appended) ---
"""Pipeline reference for scband-musicmodel-81183471829240 (READ-ONLY COPY).

The authoritative reference and input builder live on the scoring server;
editing this copy changes nothing except your own understanding.
"""

import jax, jax.numpy as jnp
import numpy as np


def _normalize(x, eps=1e-12):
    n = jnp.linalg.norm(x, ord=2, axis=-1, keepdims=True)
    return x / jnp.maximum(n, eps)


def setup_inputs(seed: int = 0) -> dict:
    key = jax.random.key(seed)
    ks = jax.random.split(key, 8)
    B, D, Q = 4096, 128, 65536
    return {
        "f_a": jax.random.normal(ks[0], (B, D), dtype=jnp.float32),
        "f_1": jax.random.normal(ks[1], (B, D), dtype=jnp.float32),
        "f_2": jax.random.normal(ks[2], (B, D), dtype=jnp.float32),
        "f_3": jax.random.normal(ks[3], (B, D), dtype=jnp.float32),
        "f_4": jax.random.normal(ks[4], (B, D), dtype=jnp.float32),
        "feat_p": jax.random.normal(ks[5], (B, D), dtype=jnp.float32),
        "Wp84": jax.random.normal(ks[6], (D, D), dtype=jnp.float32),
        "p_queue84": jax.random.normal(ks[7], (Q, D), dtype=jnp.float32),
        "ptr": 8192,
    }


def reference(f_a, f_1, f_2, f_3, f_4, feat_p, Wp84, p_queue84, ptr):
    tau = 0.1
    # update_pqueue84: scatter-overwrite a contiguous block of the memory queue
    # (torch: self.p_queue84[ptr:ptr+B, :] = feat_p)
    new_queue = jax.lax.dynamic_update_slice(p_queue84, feat_p, (ptr, 0))

    # InfoNCE_logitsp84_1
    f_a = _normalize(f_a)
    f_1 = _normalize(f_1)
    f_2 = _normalize(f_2)
    f_3 = _normalize(f_3)
    f_4 = _normalize(f_4)
    proj = jnp.dot(f_a, Wp84)
    pos1 = jnp.dot(proj, f_1.T) / tau
    neg1 = jnp.dot(proj, f_2.T) / tau
    neg2 = jnp.dot(proj, f_3.T) / tau
    neg3 = jnp.dot(proj, f_4.T) / tau
    Ll_1 = jnp.exp(jnp.diagonal(pos1))
    n1 = jnp.sum(jnp.exp(neg1), axis=0)
    n2 = jnp.sum(jnp.exp(neg2), axis=0)
    n3 = jnp.sum(jnp.exp(neg3), axis=0)
    sum_p1 = jnp.log(Ll_1)
    negative1 = jnp.log(n1 + Ll_1 + n2 + n3)
    loss_batch = sum_p1 - negative1
    loss = -loss_batch
    return loss, new_queue

if __name__ == "__main__":
    import jax
    _d = setup_inputs()
    print(jax.jit(kernel)(*tuple(_d.values())))

</pallas_src>

<mosaic_0001>
#map = affine_map<(d0, d1) -> (0)>
#map1 = affine_map<(d0, d1) -> (0, 0)>
module attributes {stable_mosaic.version = 14 : i64} {
  func.func @_queue_sc(%arg0: i32, %arg1: i32, %arg2: memref<16xi32, #tpu.memory_space<hbm>>, %arg3: memref<4096x128xf32, #tpu.memory_space<hbm>>, %arg4: memref<65536x128xf32, #tpu.memory_space<hbm>>, %arg5: memref<65536x128xf32, #tpu.memory_space<hbm>>, %arg6: memref<256x128xf32, #tpu.memory_space<vmem>>, %arg7: memref<16xi32, #tpu.memory_space<vmem>>) attributes {dimension_semantics = [#tpu.dimension_semantics<core_parallel>, #tpu.dimension_semantics<subcore_parallel>], iteration_bounds = array<i64: 2, 16>, scalar_prefetch = 0 : i64, scratch_operands = 2 : i64, tpu.core_type = #tpu.core_type<sc_vector_subcore>, window_params = [{transform_indices = #map}, {transform_indices = #map1}, {transform_indices = #map1}, {transform_indices = #map1}]} {
    %mul3A = arith.constant 2 : i32
    %mul3A_0 = arith.muli %arg1, %mul3A : i32
    %add3A = arith.addi %mul3A_0, %arg0 : i32
    "tpu.region"() ({
      %run_scoped3A = tpu.sem_alloc : memref<!tpu.dma_semaphore, #tpu.memory_space<semaphore_mem>>
      tpu.enqueue_dma source(%arg2 : memref<16xi32, #tpu.memory_space<hbm>>) target(%arg7 : memref<16xi32, #tpu.memory_space<vmem>>) target_semaphore(%run_scoped3A : memref<!tpu.dma_semaphore, #tpu.memory_space<semaphore_mem>>)
      tpu.wait_dma2 semaphore(%run_scoped3A : memref<!tpu.dma_semaphore, #tpu.memory_space<semaphore_mem>>) src(%arg2 : memref<16xi32, #tpu.memory_space<hbm>>) dst(%arg7 : memref<16xi32, #tpu.memory_space<vmem>>)
      tpu.yield
    }) : () -> ()
    %get3A = arith.constant 0 : index
    %get3A_1 = tpu.vector_load %arg7[%get3A] {strides = array<i32>} : memref<16xi32, #tpu.memory_space<vmem>>, vector<16xi32>,
    %reduce_max3A = arith.constant true
    %reduce_max3A_2 = vector.broadcast %reduce_max3A : i1 to vector<16xi1>
    %reduce_max3A_3 = arith.constant -2147483648 : i32
    %reduce_max3A_4 = vector.broadcast %reduce_max3A_3 : i32 to vector<16xi32>
    %reduce_max3A_5 = arith.xori %get3A_1, %reduce_max3A_4 : vector<16xi32>
    %reduce_max3A_6 = tpu.scan <max>, %reduce_max3A_5 masked %reduce_max3A_2 : vector<16xi32>, vector<16xi1> -> vector<16xi32>
    %reduce_max3A_7 = arith.xori %reduce_max3A_6, %reduce_max3A_4 : vector<16xi32>
    %reduce_max3A_8 = vector.extract %reduce_max3A_7[15] : i32 from vector<16xi32>
    %mul3A_9 = arith.constant 2048 : i32
    %mul3A_10 = arith.muli %add3A, %mul3A_9 : i32
    %scan3A = arith.constant 0 : i32
    %scan3A_11 = arith.constant 0 : i32
    %scan3A_12 = arith.constant 8 : i32
    %scan3A_13 = arith.addi %scan3A_11, %scan3A_12 : i32
    %scan3A_14 = arith.constant 1 : i32
    scf.for %scan3A_16 = %scan3A_11 to %scan3A_13 step %scan3A_14  : i32 {
      %mul3A_17 = arith.constant 256 : i32
      %mul3A_18 = arith.muli %scan3A_16, %mul3A_17 : i32
      %add3A_19 = arith.addi %mul3A_10, %mul3A_18 : i32
      %multiple_of3A = tpu.assume_multiple %add3A_19, 256 : i32
      %ge3A = arith.cmpi sge, %multiple_of3A, %reduce_max3A_8 : i32
      %add3A_20 = arith.constant 256 : i32
      %add3A_21 = arith.addi %multiple_of3A, %add3A_20 : i32
      %add3A_22 = arith.constant 4096 : i32
      %add3A_23 = arith.addi %reduce_max3A_8, %add3A_22 : i32
      %le3A = arith.cmpi sle, %add3A_21, %add3A_23 : i32
      %and3A = arith.andi %ge3A, %le3A : i1
      %add3A_24 = arith.constant 256 : i32
      %add3A_25 = arith.addi %multiple_of3A, %add3A_24 : i32
      %le3A_26 = arith.cmpi sle, %add3A_25, %reduce_max3A_8 : i32
      %add3A_27 = arith.constant 4096 : i32
      %add3A_28 = arith.addi %reduce_max3A_8, %add3A_27 : i32
      %ge3A_29 = arith.cmpi sge, %multiple_of3A, %add3A_28 : i32
      %or3A = arith.ori %le3A_26, %ge3A_29 : i1
      %convert_element_type3A = arith.extui %and3A : i1 to i32
      %cond3A = arith.constant 0 : i32
      %cond3A_30 = arith.cmpi ne, %convert_element_type3A, %cond3A : i32
      scf.if %cond3A_30 {
        %sub3A = arith.subi %multiple_of3A, %reduce_max3A_8 : i32
        %multiple_of3A_39 = tpu.assume_multiple %sub3A, 8 : i32
        "tpu.region"() ({
          %run_scoped3A = tpu.sem_alloc : memref<!tpu.dma_semaphore, #tpu.memory_space<semaphore_mem>>
          %dma_start3A = arith.constant 0 : i32
          %dma_start3A_40 = tpu.memref_slice %arg3[%multiple_of3A_39, %dma_start3A] : memref<4096x128xf32, #tpu.memory_space<hbm>> -> memref<256x128xf32, #tpu.memory_space<hbm>>
          %dma_start3A_41 = arith.constant 0 : i32
          %dma_start3A_42 = tpu.memref_slice %arg3[%multiple_of3A_39, %dma_start3A_41] : memref<4096x128xf32, #tpu.memory_space<hbm>> -> memref<256x128xf32, #tpu.memory_space<hbm>>
          tpu.enqueue_dma source(%dma_start3A_42 : memref<256x128xf32, #tpu.memory_space<hbm>>) target(%arg6 : memref<256x128xf32, #tpu.memory_space<vmem>>) target_semaphore(%run_scoped3A : memref<!tpu.dma_semaphore, #tpu.memory_space<semaphore_mem>>)
          %dma_wait3A = arith.constant 0 : i32
          %dma_wait3A_43 = tpu.memref_slice %arg3[%multiple_of3A_39, %dma_wait3A] : memref<4096x128xf32, #tpu.memory_space<hbm>> -> memref<256x128xf32, #tpu.memory_space<hbm>>
          %dma_wait3A_44 = arith.constant 0 : i32
          %dma_wait3A_45 = tpu.memref_slice %arg3[%multiple_of3A_39, %dma_wait3A_44] : memref<4096x128xf32, #tpu.memory_space<hbm>> -> memref<256x128xf32, #tpu.memory_space<hbm>>
          tpu.wait_dma2 semaphore(%run_scoped3A : memref<!tpu.dma_semaphore, #tpu.memory_space<semaphore_mem>>) src(%dma_wait3A_45 : memref<256x128xf32, #tpu.memory_space<hbm>>) dst(%arg6 : memref<256x128xf32, #tpu.memory_space<vmem>>)
          tpu.yield
        }) : () -> ()
      } else {
      }
      %convert_element_type3A_31 = arith.extui %or3A : i1 to i32
      %cond3A_32 = arith.constant 0 : i32
      %cond3A_33 = arith.cmpi ne, %convert_element_type3A_31, %cond3A_32 : i32
      scf.if %cond3A_33 {
        "tpu.region"() ({
          %run_scoped3A = tpu.sem_alloc : memref<!tpu.dma_semaphore, #tpu.memory_space<semaphore_mem>>
          %dma_start3A = arith.constant 0 : i32
          %dma_start3A_39 = tpu.memref_slice %arg4[%multiple_of3A, %dma_start3A] : memref<65536x128xf32, #tpu.memory_space<hbm>> -> memref<256x128xf32, #tpu.memory_space<hbm>>
          %dma_start3A_40 = arith.constant 0 : i32
          %dma_start3A_41 = tpu.memref_slice %arg4[%multiple_of3A, %dma_start3A_40] : memref<65536x128xf32, #tpu.memory_space<hbm>> -> memref<256x128xf32, #tpu.memory_space<hbm>>
          tpu.enqueue_dma source(%dma_start3A_41 : memref<256x128xf32, #tpu.memory_space<hbm>>) target(%arg6 : memref<256x128xf32, #tpu.memory_space<vmem>>) target_semaphore(%run_scoped3A : memref<!tpu.dma_semaphore, #tpu.memory_space<semaphore_mem>>)
          %dma_wait3A = arith.constant 0 : i32
          %dma_wait3A_42 = tpu.memref_slice %arg4[%multiple_of3A, %dma_wait3A] : memref<65536x128xf32, #tpu.memory_space<hbm>> -> memref<256x128xf32, #tpu.memory_space<hbm>>
          %dma_wait3A_43 = arith.constant 0 : i32
          %dma_wait3A_44 = tpu.memref_slice %arg4[%multiple_of3A, %dma_wait3A_43] : memref<65536x128xf32, #tpu.memory_space<hbm>> -> memref<256x128xf32, #tpu.memory_space<hbm>>
          tpu.wait_dma2 semaphore(%run_scoped3A : memref<!tpu.dma_semaphore, #tpu.memory_space<semaphore_mem>>) src(%dma_wait3A_44 : memref<256x128xf32, #tpu.memory_space<hbm>>) dst(%arg6 : memref<256x128xf32, #tpu.memory_space<vmem>>)
          tpu.yield
        }) : () -> ()
      } else {
      }
      %or3A_34 = arith.ori %and3A, %or3A : i1
      %not3A = arith.constant true
      %not3A_35 = arith.xori %or3A_34, %not3A : i1
      %convert_element_type3A_36 = arith.extui %not3A_35 : i1 to i32
      %cond3A_37 = arith.constant 0 : i32
      %cond3A_38 = arith.cmpi ne, %convert_element_type3A_36, %cond3A_37 : i32
      scf.if %cond3A_38 {
        %scan3A_39 = arith.constant 0 : i32
        %scan3A_40 = arith.constant 0 : i32
        %scan3A_41 = arith.constant 32 : i32
        %scan3A_42 = arith.addi %scan3A_40, %scan3A_41 : i32
        %scan3A_43 = arith.constant 1 : i32
        scf.for %scan3A_45 = %scan3A_40 to %scan3A_42 step %scan3A_43  : i32 {
          %mul3A_46 = arith.constant 8 : i32
          %mul3A_47 = arith.muli %scan3A_45, %mul3A_46 : i32
          %add3A_48 = arith.addi %multiple_of3A, %mul3A_47 : i32
          %multiple_of3A_49 = tpu.assume_multiple %add3A_48, 8 : i32
          %ge3A_50 = arith.cmpi sge, %multiple_of3A_49, %reduce_max3A_8 : i32
          %add3A_51 = arith.constant 4096 : i32
          %add3A_52 = arith.addi %reduce_max3A_8, %add3A_51 : i32
          %lt3A = arith.cmpi slt, %multiple_of3A_49, %add3A_52 : i32
          %and3A_53 = arith.andi %ge3A_50, %lt3A : i1
          %mul3A_54 = arith.constant 8 : i32
          %mul3A_55 = arith.muli %scan3A_45, %mul3A_54 : i32
          %multiple_of3A_56 = tpu.assume_multiple %mul3A_55, 8 : i32
          %convert_element_type3A_57 = arith.extui %and3A_53 : i1 to i32
          %cond3A_58 = arith.constant 0 : i32
          %cond3A_59 = arith.cmpi ne, %convert_element_type3A_57, %cond3A_58 : i32
          scf.if %cond3A_59 {
            %sub3A = arith.subi %multiple_of3A_49, %reduce_max3A_8 : i32
            %multiple_of3A_65 = tpu.assume_multiple %sub3A, 8 : i32
            "tpu.region"() ({
              %run_scoped3A = tpu.sem_alloc : memref<!tpu.dma_semaphore, #tpu.memory_space<semaphore_mem>>
              %dma_start3A = arith.constant 0 : i32
              %dma_start3A_66 = tpu.memref_slice %arg6[%multiple_of3A_56, %dma_start3A] : memref<256x128xf32, #tpu.memory_space<vmem>> -> memref<8x128xf32, #tpu.memory_space<vmem>>
              %dma_start3A_67 = arith.constant 0 : i32
              %dma_start3A_68 = tpu.memref_slice %arg3[%multiple_of3A_65, %dma_start3A_67] : memref<4096x128xf32, #tpu.memory_space<hbm>> -> memref<8x128xf32, #tpu.memory_space<hbm>>
              %dma_start3A_69 = arith.constant 0 : i32
              %dma_start3A_70 = tpu.memref_slice %arg6[%multiple_of3A_56, %dma_start3A_69] : memref<256x128xf32, #tpu.memory_space<vmem>> -> memref<8x128xf32, #tpu.memory_space<vmem>>
              %dma_start3A_71 = arith.constant 0 : i32
              %dma_start3A_72 = tpu.memref_slice %arg3[%multiple_of3A_65, %dma_start3A_71] : memref<4096x128xf32, #tpu.memory_space<hbm>> -> memref<8x128xf32, #tpu.memory_space<hbm>>
              tpu.enqueue_dma source(%dma_start3A_72 : memref<8x128xf32, #tpu.memory_space<hbm>>) target(%dma_start3A_70 : memref<8x128xf32, #tpu.memory_space<vmem>>) target_semaphore(%run_scoped3A : memref<!tpu.dma_semaphore, #tpu.memory_space<semaphore_mem>>)
              %dma_wait3A = arith.constant 0 : i32
              %dma_wait3A_73 = tpu.memref_slice %arg6[%multiple_of3A_56, %dma_wait3A] : memref<256x128xf32, #tpu.memory_space<vmem>> -> memref<8x128xf32, #tpu.memory_space<vmem>>
              %dma_wait3A_74 = arith.constant 0 : i32
              %dma_wait3A_75 = tpu.memref_slice %arg3[%multiple_of3A_65, %dma_wait3A_74] : memref<4096x128xf32, #tpu.memory_space<hbm>> -> memref<8x128xf32, #tpu.memory_space<hbm>>
              %dma_wait3A_76 = arith.constant 0 : i32
              %dma_wait3A_77 = tpu.memref_slice %arg6[%multiple_of3A_56, %dma_wait3A_76] : memref<256x128xf32, #tpu.memory_space<vmem>> -> memref<8x128xf32, #tpu.memory_space<vmem>>
              %dma_wait3A_78 = arith.constant 0 : i32
              %dma_wait3A_79 = tpu.memref_slice %arg3[%multiple_of3A_65, %dma_wait3A_78] : memref<4096x128xf32, #tpu.memory_space<hbm>> -> memref<8x128xf32, #tpu.memory_space<hbm>>
              tpu.wait_dma2 semaphore(%run_scoped3A : memref<!tpu.dma_semaphore, #tpu.memory_space<semaphore_mem>>) src(%dma_wait3A_79 : memref<8x128xf32, #tpu.memory_space<hbm>>) dst(%dma_wait3A_77 : memref<8x128xf32, #tpu.memory_space<vmem>>)
              tpu.yield
            }) : () -> ()
          } else {
          }
          %not3A_60 = arith.constant true
          %not3A_61 = arith.xori %and3A_53, %not3A_60 : i1
          %convert_element_type3A_62 = arith.extui %not3A_61 : i1 to i32
          %cond3A_63 = arith.constant 0 : i32
          %cond3A_64 = arith.cmpi ne, %convert_element_type3A_62, %cond3A_63 : i32
          scf.if %cond3A_64 {
            "tpu.region"() ({
              %run_scoped3A = tpu.sem_alloc : memref<!tpu.dma_semaphore, #tpu.memory_space<semaphore_mem>>
              %dma_start3A = arith.constant 0 : i32
              %dma_start3A_65 = tpu.memref_slice %arg6[%multiple_of3A_56, %dma_start3A] : memref<256x128xf32, #tpu.memory_space<vmem>> -> memref<8x128xf32, #tpu.memory_space<vmem>>
              %dma_start3A_66 = arith.constant 0 : i32
              %dma_start3A_67 = tpu.memref_slice %arg4[%multiple_of3A_49, %dma_start3A_66] : memref<65536x128xf32, #tpu.memory_space<hbm>> -> memref<8x128xf32, #tpu.memory_space<hbm>>
              %dma_start3A_68 = arith.constant 0 : i32
              %dma_start3A_69 = tpu.memref_slice %arg6[%multiple_of3A_56, %dma_start3A_68] : memref<256x128xf32, #tpu.memory_space<vmem>> -> memref<8x128xf32, #tpu.memory_space<vmem>>
              %dma_start3A_70 = arith.constant 0 : i32
              %dma_start3A_71 = tpu.memref_slice %arg4[%multiple_of3A_49, %dma_start3A_70] : memref<65536x128xf32, #tpu.memory_space<hbm>> -> memref<8x128xf32, #tpu.memory_space<hbm>>
              tpu.enqueue_dma source(%dma_start3A_71 : memref<8x128xf32, #tpu.memory_space<hbm>>) target(%dma_start3A_69 : memref<8x128xf32, #tpu.memory_space<vmem>>) target_semaphore(%run_scoped3A : memref<!tpu.dma_semaphore, #tpu.memory_space<semaphore_mem>>)
              %dma_wait3A = arith.constant 0 : i32
              %dma_wait3A_72 = tpu.memref_slice %arg6[%multiple_of3A_56, %dma_wait3A] : memref<256x128xf32, #tpu.memory_space<vmem>> -> memref<8x128xf32, #tpu.memory_space<vmem>>
              %dma_wait3A_73 = arith.constant 0 : i32
              %dma_wait3A_74 = tpu.memref_slice %arg4[%multiple_of3A_49, %dma_wait3A_73] : memref<65536x128xf32, #tpu.memory_space<hbm>> -> memref<8x128xf32, #tpu.memory_space<hbm>>
              %dma_wait3A_75 = arith.constant 0 : i32
              %dma_wait3A_76 = tpu.memref_slice %arg6[%multiple_of3A_56, %dma_wait3A_75] : memref<256x128xf32, #tpu.memory_space<vmem>> -> memref<8x128xf32, #tpu.memory_space<vmem>>
              %dma_wait3A_77 = arith.constant 0 : i32
              %dma_wait3A_78 = tpu.memref_slice %arg4[%multiple_of3A_49, %dma_wait3A_77] : memref<65536x128xf32, #tpu.memory_space<hbm>> -> memref<8x128xf32, #tpu.memory_space<hbm>>
              tpu.wait_dma2 semaphore(%run_scoped3A : memref<!tpu.dma_semaphore, #tpu.memory_space<semaphore_mem>>) src(%dma_wait3A_78 : memref<8x128xf32, #tpu.memory_space<hbm>>) dst(%dma_wait3A_76 : memref<8x128xf32, #tpu.memory_space<vmem>>)
              tpu.yield
            }) : () -> ()
          } else {
          }
        }
        %scan3A_44 = arith.constant 32 : i32
      } else {
      }
      "tpu.region"() ({
        %run_scoped3A = tpu.sem_alloc : memref<!tpu.dma_semaphore, #tpu.memory_space<semaphore_mem>>
        %dma_start3A = arith.constant 0 : i32
        %dma_start3A_39 = tpu.memref_slice %arg5[%multiple_of3A, %dma_start3A] : memref<65536x128xf32, #tpu.memory_space<hbm>> -> memref<256x128xf32, #tpu.memory_space<hbm>>
        %dma_start3A_40 = arith.constant 0 : i32
        %dma_start3A_41 = tpu.memref_slice %arg5[%multiple_of3A, %dma_start3A_40] : memref<65536x128xf32, #tpu.memory_space<hbm>> -> memref<256x128xf32, #tpu.memory_space<hbm>>
        tpu.enqueue_dma source(%arg6 : memref<256x128xf32, #tpu.memory_space<vmem>>) target(%dma_start3A_41 : memref<256x128xf32, #tpu.memory_space<hbm>>) target_semaphore(%run_scoped3A : memref<!tpu.dma_semaphore, #tpu.memory_space<semaphore_mem>>)
        %dma_wait3A = arith.constant 0 : i32
        %dma_wait3A_42 = tpu.memref_slice %arg5[%multiple_of3A, %dma_wait3A] : memref<65536x128xf32, #tpu.memory_space<hbm>> -> memref<256x128xf32, #tpu.memory_space<hbm>>
        %dma_wait3A_43 = arith.constant 0 : i32
        %dma_wait3A_44 = tpu.memref_slice %arg5[%multiple_of3A, %dma_wait3A_43] : memref<65536x128xf32, #tpu.memory_space<hbm>> -> memref<256x128xf32, #tpu.memory_space<hbm>>
        tpu.wait_dma2 semaphore(%run_scoped3A : memref<!tpu.dma_semaphore, #tpu.memory_space<semaphore_mem>>) src(%arg6 : memref<256x128xf32, #tpu.memory_space<vmem>>) dst(%dma_wait3A_44 : memref<256x128xf32, #tpu.memory_space<hbm>>)
        tpu.yield
      }) : () -> ()
    }
    %scan3A_15 = arith.constant 8 : i32
    return
  }
}

module attributes {stable_mosaic.version = 14 : i64} {
  func.func @_loss_kernel(%arg0: i32, %arg1: i32, %arg2: memref<512x128xf32, #tpu.memory_space<vmem>>, %arg3: memref<2048x128xf32, #tpu.memory_space<vmem>>, %arg4: memref<2048x128xf32, #tpu.memory_space<vmem>>, %arg5: memref<2048x128xf32, #tpu.memory_space<vmem>>, %arg6: memref<2048x128xf32, #tpu.memory_space<vmem>>, %arg7: memref<128x128xf32, #tpu.memory_space<vmem>>, %arg8: memref<1x2048xf32, #tpu.memory_space<vmem>>, %arg9: memref<4096x128xbf16, #tpu.memory_space<vmem>>, %arg10: memref<2048x128xbf16, #tpu.memory_space<vmem>>, %arg11: memref<2048x128xbf16, #tpu.memory_space<vmem>>, %arg12: memref<2048x128xbf16, #tpu.memory_space<vmem>>, %arg13: memref<2048x128xbf16, #tpu.memory_space<vmem>>, %arg14: memref<512x2048xf32, #tpu.memory_space<vmem>>, %arg15: memref<1x2048xf32, #tpu.memory_space<vmem>>) attributes {dimension_semantics = [#tpu.dimension_semantics<arbitrary>, #tpu.dimension_semantics<arbitrary>], iteration_bounds = array<i64: 2, 8>, scalar_prefetch = 0 : i64, scratch_operands = 7 : i64, tpu.core_type = #tpu.core_type<tc>, window_params = [{transform_indices = @transform_0, window_bounds = array<i64: 512, 128>}, {transform_indices = @transform_1, window_bounds = array<i64: 2048, 128>}, {transform_indices = @transform_2, window_bounds = array<i64: 2048, 128>}, {transform_indices = @transform_3, window_bounds = array<i64: 2048, 128>}, {transform_indices = @transform_4, window_bounds = array<i64: 2048, 128>}, {pipeline_mode = #tpu.pipeline_mode<synchronous>, transform_indices = @transform_5, window_bounds = array<i64: 128, 128>}, {transform_indices = @transform_6, window_bounds = array<i64: 1, 2048>}]} {
    %eq3A = arith.constant 0 : i32
    %eq3A_0 = arith.cmpi eq, %arg0, %eq3A : i32
    %convert_element_type3A = arith.extui %eq3A_0 : i1 to i32
    %cond3A = arith.constant 14.4269505 : f32
    %cond3A_1 = arith.constant 0 : i32
    %cond3A_2 = arith.cmpi ne, %convert_element_type3A, %cond3A_1 : i32
    scf.if %cond3A_2 {
      %get3A_66 = arith.constant 0 : index
      %get3A_67 = arith.constant 0 : index
      %get3A_68 = vector.load %arg2[%get3A_66, %get3A_67] : memref<512x128xf32, #tpu.memory_space<vmem>>, vector<512x128xf32>
      %mul3A_69 = arith.mulf %get3A_68, %get3A_68 : vector<512x128xf32>
      %reduce_sum3A = arith.constant dense<0.000000e+00> : vector<512xf32>
      %reduce_sum3A_70 = vector.multi_reduction <add>, %mul3A_69, %reduce_sum3A [1] : vector<512x128xf32> to vector<512xf32>
      %broadcast_in_dim3A = vector.shape_cast %reduce_sum3A_70 : vector<512xf32> to vector<512x1xf32>
      %sqrt3A = math.sqrt %broadcast_in_dim3A : vector<512x1xf32>
      %max3A = arith.constant 9.99999996E-13 : f32
      %max3A_71 = vector.broadcast %max3A : f32 to vector<512x1xf32>
      %max3A_72 = arith.maximumf %sqrt3A, %max3A_71 : vector<512x1xf32>
      %div3A_73 = vector.broadcast %max3A_72 : vector<512x1xf32> to vector<512x128xf32>
      %div3A_74 = arith.divf %get3A_68, %div3A_73 : vector<512x128xf32>
      %get3A_75 = arith.constant 0 : index
      %get3A_76 = arith.constant 0 : index
      %get3A_77 = vector.load %arg7[%get3A_75, %get3A_76] : memref<128x128xf32, #tpu.memory_space<vmem>>, vector<128x128xf32>
      %dot_general3A_78 = arith.constant dense<0.000000e+00> : vector<512x128xf32>
      %dot_general3A_79 = tpu.matmul %div3A_74, %get3A_77, %dot_general3A_78 {dimension_numbers = #tpu.dot_dimension_numbers<[1], [0], [0], [1], [0, 0, 1, 1], [], []>, transpose_lhs_hint = false} : vector<512x128xf32>, vector<128x128xf32>, vector<512x128xf32> -> vector<512x128xf32>
      %mul3A_80 = vector.broadcast %cond3A : f32 to vector<512x128xf32>
      %mul3A_81 = arith.mulf %dot_general3A_79, %mul3A_80 : vector<512x128xf32>
      %convert_element_type3A_82 = arith.truncf %mul3A_81 : vector<512x128xf32> to vector<512x128xbf16>
      %mul3A_83 = arith.constant 512 : i32
      %mul3A_84 = arith.muli %arg1, %mul3A_83 : i32
      %swap3A = arith.index_cast %mul3A_84 : i32 to index
      %swap3A_85 = arith.constant 0 : index
      %swap3A_86 = vector.load %arg9[%swap3A, %swap3A_85] : memref<4096x128xbf16, #tpu.memory_space<vmem>>, vector<512x128xbf16>
      tpu.vector_store %arg9[%swap3A, %swap3A_85], %convert_element_type3A_82 {strides = array<i32>} : memref<4096x128xbf16, #tpu.memory_space<vmem>>, vector<512x128xbf16>,
    } else {
    }
    %eq3A_3 = arith.constant 0 : i32
    %eq3A_4 = arith.cmpi eq, %arg1, %eq3A_3 : i32
    %convert_element_type3A_5 = arith.extui %eq3A_4 : i1 to i32
    %cond3A_6 = arith.constant 0 : i32
    %cond3A_7 = arith.cmpi ne, %convert_element_type3A_5, %cond3A_6 : i32
    scf.if %cond3A_7 {
      %get3A_66 = arith.constant 0 : index
      %get3A_67 = arith.constant 0 : index
      %get3A_68 = vector.load %arg3[%get3A_66, %get3A_67] : memref<2048x128xf32, #tpu.memory_space<vmem>>, vector<2048x128xf32>
      %mul3A_69 = arith.mulf %get3A_68, %get3A_68 : vector<2048x128xf32>
      %reduce_sum3A = arith.constant dense<0.000000e+00> : vector<2048xf32>
      %reduce_sum3A_70 = vector.multi_reduction <add>, %mul3A_69, %reduce_sum3A [1] : vector<2048x128xf32> to vector<2048xf32>
      %broadcast_in_dim3A = vector.shape_cast %reduce_sum3A_70 : vector<2048xf32> to vector<2048x1xf32>
      %sqrt3A = math.sqrt %broadcast_in_dim3A : vector<2048x1xf32>
      %max3A = arith.constant 9.99999996E-13 : f32
      %max3A_71 = vector.broadcast %max3A : f32 to vector<2048x1xf32>
      %max3A_72 = arith.maximumf %sqrt3A, %max3A_71 : vector<2048x1xf32>
      %div3A_73 = vector.broadcast %max3A_72 : vector<2048x1xf32> to vector<2048x128xf32>
      %div3A_74 = arith.divf %get3A_68, %div3A_73 : vector<2048x128xf32>
      %convert_element_type3A_75 = arith.truncf %div3A_74 : vector<2048x128xf32> to vector<2048x128xbf16>
      %swap3A = arith.constant 0 : index
      %swap3A_76 = arith.constant 0 : index
      %swap3A_77 = vector.load %arg10[%swap3A, %swap3A_76] : memref<2048x128xbf16, #tpu.memory_space<vmem>>, vector<2048x128xbf16>
      tpu.vector_store %arg10[%swap3A, %swap3A_76], %convert_element_type3A_75 {strides = array<i32>} : memref<2048x128xbf16, #tpu.memory_space<vmem>>, vector<2048x128xbf16>,
      %get3A_78 = arith.constant 0 : index
      %get3A_79 = arith.constant 0 : index
      %get3A_80 = vector.load %arg4[%get3A_78, %get3A_79] : memref<2048x128xf32, #tpu.memory_space<vmem>>, vector<2048x128xf32>
      %mul3A_81 = arith.mulf %get3A_80, %get3A_80 : vector<2048x128xf32>
      %reduce_sum3A_82 = arith.constant dense<0.000000e+00> : vector<2048xf32>
      %reduce_sum3A_83 = vector.multi_reduction <add>, %mul3A_81, %reduce_sum3A_82 [1] : vector<2048x128xf32> to vector<2048xf32>
      %broadcast_in_dim3A_84 = vector.shape_cast %reduce_sum3A_83 : vector<2048xf32> to vector<2048x1xf32>
      %sqrt3A_85 = math.sqrt %broadcast_in_dim3A_84 : vector<2048x1xf32>
      %max3A_86 = arith.constant 9.99999996E-13 : f32
      %max3A_87 = vector.broadcast %max3A_86 : f32 to vector<2048x1xf32>
      %max3A_88 = arith.maximumf %sqrt3A_85, %max3A_87 : vector<2048x1xf32>
      %div3A_89 = vector.broadcast %max3A_88 : vector<2048x1xf32> to vector<2048x128xf32>
      %div3A_90 = arith.divf %get3A_80, %div3A_89 : vector<2048x128xf32>
      %convert_element_type3A_91 = arith.truncf %div3A_90 : vector<2048x128xf32> to vector<2048x128xbf16>
      %swap3A_92 = arith.constant 0 : index
      %swap3A_93 = arith.constant 0 : index
      %swap3A_94 = vector.load %arg11[%swap3A_92, %swap3A_93] : memref<2048x128xbf16, #tpu.memory_space<vmem>>, vector<2048x128xbf16>
      tpu.vector_store %arg11[%swap3A_92, %swap3A_93], %convert_element_type3A_91 {strides = array<i32>} : memref<2048x128xbf16, #tpu.memory_space<vmem>>, vector<2048x128xbf16>,
      %get3A_95 = arith.constant 0 : index
      %get3A_96 = arith.constant 0 : index
      %get3A_97 = vector.load %arg5[%get3A_95, %get3A_96] : memref<2048x128xf32, #tpu.memory_space<vmem>>, vector<2048x128xf32>
      %mul3A_98 = arith.mulf %get3A_97, %get3A_97 : vector<2048x128xf32>
      %reduce_sum3A_99 = arith.constant dense<0.000000e+00> : vector<2048xf32>
      %reduce_sum3A_100 = vector.multi_reduction <add>, %mul3A_98, %reduce_sum3A_99 [1] : vector<2048x128xf32> to vector<2048xf32>
      %broadcast_in_dim3A_101 = vector.shape_cast %reduce_sum3A_100 : vector<2048xf32> to vector<2048x1xf32>
      %sqrt3A_102 = math.sqrt %broadcast_in_dim3A_101 : vector<2048x1xf32>
      %max3A_103 = arith.constant 9.99999996E-13 : f32
      %max3A_104 = vector.broadcast %max3A_103 : f32 to vector<2048x1xf32>
      %max3A_105 = arith.maximumf %sqrt3A_102, %max3A_104 : vector<2048x1xf32>
      %div3A_106 = vector.broadcast %max3A_105 : vector<2048x1xf32> to vector<2048x128xf32>
      %div3A_107 = arith.divf %get3A_97, %div3A_106 : vector<2048x128xf32>
      %convert_element_type3A_108 = arith.truncf %div3A_107 : vector<2048x128xf32> to vector<2048x128xbf16>
      %swap3A_109 = arith.constant 0 : index
      %swap3A_110 = arith.constant 0 : index
      %swap3A_111 = vector.load %arg12[%swap3A_109, %swap3A_110] : memref<2048x128xbf16, #tpu.memory_space<vmem>>, vector<2048x128xbf16>
      tpu.vector_store %arg12[%swap3A_109, %swap3A_110], %convert_element_type3A_108 {strides = array<i32>} : memref<2048x128xbf16, #tpu.memory_space<vmem>>, vector<2048x128xbf16>,
      %get3A_112 = arith.constant 0 : index
      %get3A_113 = arith.constant 0 : index
      %get3A_114 = vector.load %arg6[%get3A_112, %get3A_113] : memref<2048x128xf32, #tpu.memory_space<vmem>>, vector<2048x128xf32>
      %mul3A_115 = arith.mulf %get3A_114, %get3A_114 : vector<2048x128xf32>
      %reduce_sum3A_116 = arith.constant dense<0.000000e+00> : vector<2048xf32>
      %reduce_sum3A_117 = vector.multi_reduction <add>, %mul3A_115, %reduce_sum3A_116 [1] : vector<2048x128xf32> to vector<2048xf32>
      %broadcast_in_dim3A_118 = vector.shape_cast %reduce_sum3A_117 : vector<2048xf32> to vector<2048x1xf32>
      %sqrt3A_119 = math.sqrt %broadcast_in_dim3A_118 : vector<2048x1xf32>
      %max3A_120 = arith.constant 9.99999996E-13 : f32
      %max3A_121 = vector.broadcast %max3A_120 : f32 to vector<2048x1xf32>
      %max3A_122 = arith.maximumf %sqrt3A_119, %max3A_121 : vector<2048x1xf32>
      %div3A_123 = vector.broadcast %max3A_122 : vector<2048x1xf32> to vector<2048x128xf32>
      %div3A_124 = arith.divf %get3A_114, %div3A_123 : vector<2048x128xf32>
      %convert_element_type3A_125 = arith.truncf %div3A_124 : vector<2048x128xf32> to vector<2048x128xbf16>
      %swap3A_126 = arith.constant 0 : index
      %swap3A_127 = arith.constant 0 : index
      %swap3A_128 = vector.load %arg13[%swap3A_126, %swap3A_127] : memref<2048x128xbf16, #tpu.memory_space<vmem>>, vector<2048x128xbf16>
      tpu.vector_store %arg13[%swap3A_126, %swap3A_127], %convert_element_type3A_125 {strides = array<i32>} : memref<2048x128xbf16, #tpu.memory_space<vmem>>, vector<2048x128xbf16>,
    } else {
    }
    %mul3A = arith.constant 512 : i32
    %mul3A_8 = arith.muli %arg1, %mul3A : i32
    %get3A = arith.index_cast %mul3A_8 : i32 to index
    %get3A_9 = arith.constant 0 : index
    %get3A_10 = vector.load %arg9[%get3A, %get3A_9] : memref<4096x128xbf16, #tpu.memory_space<vmem>>, vector<512x128xbf16>
    %get3A_11 = arith.constant 0 : index
    %get3A_12 = arith.constant 0 : index
    %get3A_13 = vector.load %arg11[%get3A_11, %get3A_12] : memref<2048x128xbf16, #tpu.memory_space<vmem>>, vector<2048x128xbf16>
    %dot_general3A = arith.constant dense<0.000000e+00> : vector<512x2048xf32>
    %dot_general3A_14 = tpu.matmul %get3A_10, %get3A_13, %dot_general3A {dimension_numbers = #tpu.dot_dimension_numbers<[1], [1], [0], [0], [0, 0, 1, 0], [], []>, transpose_lhs_hint = false} : vector<512x128xbf16>, vector<2048x128xbf16>, vector<512x2048xf32> -> vector<512x2048xf32>
    %exp23A = math.exp2 %dot_general3A_14 : vector<512x2048xf32>
    %get3A_15 = arith.constant 0 : index
    %get3A_16 = arith.constant 0 : index
    %get3A_17 = vector.load %arg12[%get3A_15, %get3A_16] : memref<2048x128xbf16, #tpu.memory_space<vmem>>, vector<2048x128xbf16>
    %dot_general3A_18 = arith.constant dense<0.000000e+00> : vector<512x2048xf32>
    %dot_general3A_19 = tpu.matmul %get3A_10, %get3A_17, %dot_general3A_18 {dimension_numbers = #tpu.dot_dimension_numbers<[1], [1], [0], [0], [0, 0, 1, 0], [], []>, transpose_lhs_hint = false} : vector<512x128xbf16>, vector<2048x128xbf16>, vector<512x2048xf32> -> vector<512x2048xf32>
    %exp23A_20 = math.exp2 %dot_general3A_19 : vector<512x2048xf32>
    %add3A = arith.addf %exp23A, %exp23A_20 : vector<512x2048xf32>
    %get3A_21 = arith.constant 0 : index
    %get3A_22 = arith.constant 0 : index
    %get3A_23 = vector.load %arg13[%get3A_21, %get3A_22] : memref<2048x128xbf16, #tpu.memory_space<vmem>>, vector<2048x128xbf16>
    %dot_general3A_24 = arith.constant dense<0.000000e+00> : vector<512x2048xf32>
    %dot_general3A_25 = tpu.matmul %get3A_10, %get3A_23, %dot_general3A_24 {dimension_numbers = #tpu.dot_dimension_numbers<[1], [1], [0], [0], [0, 0, 1, 0], [], []>, transpose_lhs_hint = false} : vector<512x128xbf16>, vector<2048x128xbf16>, vector<512x2048xf32> -> vector<512x2048xf32>
    %exp23A_26 = math.exp2 %dot_general3A_25 : vector<512x2048xf32>
    %add3A_27 = arith.addf %add3A, %exp23A_26 : vector<512x2048xf32>
    %eq3A_28 = arith.constant 0 : i32
    %eq3A_29 = arith.cmpi eq, %arg1, %eq3A_28 : i32
    %convert_element_type3A_30 = arith.extui %eq3A_29 : i1 to i32
    %cond3A_31 = arith.constant 0 : i32
    %cond3A_32 = arith.cmpi ne, %convert_element_type3A_30, %cond3A_31 : i32
    scf.if %cond3A_32 {
      %swap3A = arith.constant 0 : index
      %swap3A_66 = arith.constant 0 : index
      %swap3A_67 = vector.load %arg14[%swap3A, %swap3A_66] : memref<512x2048xf32, #tpu.memory_space<vmem>>, vector<512x2048xf32>
      tpu.vector_store %arg14[%swap3A, %swap3A_66], %add3A_27 {strides = array<i32>} : memref<512x2048xf32, #tpu.memory_space<vmem>>, vector<512x2048xf32>,
    } else {
    }
    %ne3A = arith.constant 0 : i32
    %ne3A_33 = arith.cmpi ne, %arg1, %ne3A : i32
    %ne3A_34 = arith.constant 7 : i32
    %ne3A_35 = arith.cmpi ne, %arg1, %ne3A_34 : i32
    %and3A = arith.andi %ne3A_33, %ne3A_35 : i1
    %convert_element_type3A_36 = arith.extui %and3A : i1 to i32
    %cond3A_37 = arith.constant 0 : i32
    %cond3A_38 = arith.cmpi ne, %convert_element_type3A_36, %cond3A_37 : i32
    scf.if %cond3A_38 {
      %get3A_66 = arith.constant 0 : index
      %get3A_67 = arith.constant 0 : index
      %get3A_68 = vector.load %arg14[%get3A_66, %get3A_67] : memref<512x2048xf32, #tpu.memory_space<vmem>>, vector<512x2048xf32>
      %add3A_69 = arith.addf %get3A_68, %add3A_27 : vector<512x2048xf32>
      %swap3A = arith.constant 0 : index
      %swap3A_70 = arith.constant 0 : index
      %swap3A_71 = vector.load %arg14[%swap3A, %swap3A_70] : memref<512x2048xf32, #tpu.memory_space<vmem>>, vector<512x2048xf32>
      tpu.vector_store %arg14[%swap3A, %swap3A_70], %add3A_69 {strides = array<i32>} : memref<512x2048xf32, #tpu.memory_space<vmem>>, vector<512x2048xf32>,
    } else {
    }
    %jit3A = arith.constant 4 : i32
    %div3A = arith.divsi %arg1, %jit3A : i32
    %sign3A = arith.constant 0 : i32
    %sign3A_39 = arith.cmpi sgt, %arg1, %sign3A : i32
    %sign3A_40 = arith.extui %sign3A_39 : i1 to i32
    %sign3A_41 = arith.constant 0 : i32
    %sign3A_42 = arith.cmpi slt, %arg1, %sign3A_41 : i32
    %sign3A_43 = arith.extui %sign3A_42 : i1 to i32
    %sign3A_44 = arith.subi %sign3A_40, %sign3A_43 : i32
    %sign3A_45 = arith.constant 0 : i32
    %sign3A_46 = arith.cmpi sgt, %jit3A, %sign3A_45 : i32
    %sign3A_47 = arith.extui %sign3A_46 : i1 to i32
    %sign3A_48 = arith.constant 0 : i32
    %sign3A_49 = arith.cmpi slt, %jit3A, %sign3A_48 : i32
    %sign3A_50 = arith.extui %sign3A_49 : i1 to i32
    %sign3A_51 = arith.subi %sign3A_47, %sign3A_50 : i32
    %ne3A_52 = arith.cmpi ne, %sign3A_44, %sign3A_51 : i32
    %rem3A = arith.remsi %arg1, %jit3A : i32
    %ne3A_53 = arith.constant 0 : i32
    %ne3A_54 = arith.cmpi ne, %rem3A, %ne3A_53 : i32
    %and3A_55 = arith.andi %ne3A_52, %ne3A_54 : i1
    %sub3A = arith.constant 1 : i32
    %sub3A_56 = arith.subi %div3A, %sub3A : i32
    %select_n3A = arith.select %and3A_55, %sub3A_56, %div3A : i32
    %eq3A_57 = arith.cmpi eq, %select_n3A, %arg0 : i32
    %convert_element_type3A_58 = arith.extui %eq3A_57 : i1 to i32
    %cond3A_59 = arith.constant 0 : i32
    %cond3A_60 = arith.cmpi ne, %convert_element_type3A_58, %cond3A_59 : i32
    scf.if %cond3A_60 {
      %jit3A_66 = arith.constant 4 : i32
      %eq3A_67 = arith.constant 0 : i32
      %eq3A_68 = arith.cmpi eq, %jit3A_66, %eq3A_67 : i32
      %jit3A_69 = arith.constant 1 : i32
      %select_n3A_70 = arith.select %eq3A_68, %jit3A_69, %jit3A_66 : i32
      %rem3A_71 = arith.remsi %arg1, %select_n3A_70 : i32
      %ne3A_72 = arith.constant 0 : i32
      %ne3A_73 = arith.cmpi ne, %rem3A_71, %ne3A_72 : i32
      %lt3A = arith.constant 0 : i32
      %lt3A_74 = arith.cmpi slt, %rem3A_71, %lt3A : i32
      %lt3A_75 = arith.constant 0 : i32
      %lt3A_76 = arith.cmpi slt, %select_n3A_70, %lt3A_75 : i32
      %ne3A_77 = arith.xori %lt3A_74, %lt3A_76 : i1
      %and3A_78 = arith.andi %ne3A_77, %ne3A_73 : i1
      %add3A_79 = arith.addi %rem3A_71, %select_n3A_70 : i32
      %select_n3A_80 = arith.select %and3A_78, %add3A_79, %rem3A_71 : i32
      %mul3A_81 = arith.constant 512 : i32
      %mul3A_82 = arith.muli %select_n3A_80, %mul3A_81 : i32
      %get3A_83 = arith.index_cast %mul3A_82 : i32 to index
      %get3A_84 = arith.constant 0 : index
      %get3A_85 = vector.load %arg10[%get3A_83, %get3A_84] : memref<2048x128xbf16, #tpu.memory_space<vmem>>, vector<512x128xbf16>
      %dot_general3A_86 = arith.constant dense<0.000000e+00> : vector<512x512xf32>
      %dot_general3A_87 = tpu.matmul %get3A_10, %get3A_85, %dot_general3A_86 {dimension_numbers = #tpu.dot_dimension_numbers<[1], [1], [0], [0], [0, 0, 1, 0], [], []>, transpose_lhs_hint = false} : vector<512x128xbf16>, vector<512x128xbf16>, vector<512x512xf32> -> vector<512x512xf32>
      %iota3A = tpu.iota {dimensions = array<i32: 0>} : vector<512x512xi32>
      %iota3A_88 = tpu.iota {dimensions = array<i32: 1>} : vector<512x512xi32>
      %eq3A_89 = arith.cmpi eq, %iota3A, %iota3A_88 : vector<512x512xi32>
      %jit3A_90 = arith.constant 0.000000e+00 : f32
      %broadcast_in_dim3A = vector.broadcast %jit3A_90 : f32 to vector<512x512xf32>
      %select_n3A_91 = arith.select %eq3A_89, %dot_general3A_87, %broadcast_in_dim3A : vector<512x512xi1>, vector<512x512xf32>
      %reduce_sum3A = arith.constant dense<0.000000e+00> : vector<512xf32>
      %reduce_sum3A_92 = vector.multi_reduction <add>, %select_n3A_91, %reduce_sum3A [0] : vector<512x512xf32> to vector<512xf32>
      %broadcast_in_dim3A_93 = vector.shape_cast %reduce_sum3A_92 : vector<512xf32> to vector<1x512xf32>
      %swap3A = arith.constant 0 : index
      %swap3A_94 = arith.index_cast %mul3A_82 : i32 to index
      %swap3A_95 = vector.load %arg15[%swap3A, %swap3A_94] : memref<1x2048xf32, #tpu.memory_space<vmem>>, vector<1x512xf32>
      tpu.vector_store %arg15[%swap3A, %swap3A_94], %broadcast_in_dim3A_93 {strides = array<i32>} : memref<1x2048xf32, #tpu.memory_space<vmem>>, vector<1x512xf32>,
    } else {
    }
    %eq3A_61 = arith.constant 7 : i32
    %eq3A_62 = arith.cmpi eq, %arg1, %eq3A_61 : i32
    %convert_element_type3A_63 = arith.extui %eq3A_62 : i1 to i32
    %cond3A_64 = arith.constant 0 : i32
    %cond3A_65 = arith.cmpi ne, %convert_element_type3A_63, %cond3A_64 : i32
    scf.if %cond3A_65 {
      %get3A_66 = arith.constant 0 : index
      %get3A_67 = arith.constant 0 : index
      %get3A_68 = vector.load %arg14[%get3A_66, %get3A_67] : memref<512x2048xf32, #tpu.memory_space<vmem>>, vector<512x2048xf32>
      %add3A_69 = arith.addf %get3A_68, %add3A_27 : vector<512x2048xf32>
      %reduce_sum3A = arith.constant dense<0.000000e+00> : vector<2048xf32>
      %reduce_sum3A_70 = vector.multi_reduction <add>, %add3A_69, %reduce_sum3A [0] : vector<512x2048xf32> to vector<2048xf32>
      %broadcast_in_dim3A = vector.shape_cast %reduce_sum3A_70 : vector<2048xf32> to vector<1x2048xf32>
      %get3A_71 = arith.constant 0 : index
      %get3A_72 = arith.constant 0 : index
      %get3A_73 = vector.load %arg15[%get3A_71, %get3A_72] : memref<1x2048xf32, #tpu.memory_space<vmem>>, vector<1x2048xf32>
      %exp23A_74 = math.exp2 %get3A_73 : vector<1x2048xf32>
      %add3A_75 = arith.addf %broadcast_in_dim3A, %exp23A_74 : vector<1x2048xf32>
      %log3A = math.log %add3A_75 : vector<1x2048xf32>
      %log3A_76 = math.log %exp23A_74 : vector<1x2048xf32>
      %sub3A_77 = arith.subf %log3A, %log3A_76 : vector<1x2048xf32>
      %swap3A = arith.constant 0 : index
      %swap3A_78 = arith.constant 0 : index
      %swap3A_79 = vector.load %arg8[%swap3A, %swap3A_78] : memref<1x2048xf32, #tpu.memory_space<vmem>>, vector<1x2048xf32>
      tpu.vector_store %arg8[%swap3A, %swap3A_78], %sub3A_77 {strides = array<i32>} : memref<1x2048xf32, #tpu.memory_space<vmem>>, vector<1x2048xf32>,
    } else {
    }
    return
  }
  func.func @transform_0(%arg0: i32, %arg1: i32) -> (i32, i32) {
    %eq3A = arith.constant 0 : i32
    %eq3A_0 = arith.cmpi eq, %arg0, %eq3A : i32
    %jit3A = arith.constant 7 : i32
    %select_n3A = arith.select %eq3A_0, %arg1, %jit3A : i32
    %c0_i32 = arith.constant 0 : i32
    %c0_i32_1 = arith.constant 0 : i32
    return %select_n3A, %c0_i32 : i32, i32
  }
  func.func @transform_1(%arg0: i32, %arg1: i32) -> (i32, i32) {
    %c0_i32 = arith.constant 0 : i32
    %c0_i32_0 = arith.constant 0 : i32
    return %arg0, %c0_i32 : i32, i32
  }
  func.func @transform_2(%arg0: i32, %arg1: i32) -> (i32, i32) {
    %c0_i32 = arith.constant 0 : i32
    %c0_i32_0 = arith.constant 0 : i32
    return %arg0, %c0_i32 : i32, i32
  }
  func.func @transform_3(%arg0: i32, %arg1: i32) -> (i32, i32) {
    %c0_i32 = arith.constant 0 : i32
    %c0_i32_0 = arith.constant 0 : i32
    return %arg0, %c0_i32 : i32, i32
  }
  func.func @transform_4(%arg0: i32, %arg1: i32) -> (i32, i32) {
    %c0_i32 = arith.constant 0 : i32
    %c0_i32_0 = arith.constant 0 : i32
    return %arg0, %c0_i32 : i32, i32
  }
  func.func @transform_5(%arg0: i32, %arg1: i32) -> (i32, i32) {
    %c0_i32 = arith.constant 0 : i32
    %c0_i32_0 = arith.constant 0 : i32
    %c0_i32_1 = arith.constant 0 : i32
    return %c0_i32, %c0_i32_0 : i32, i32
  }
  func.func @transform_6(%arg0: i32, %arg1: i32) -> (i32, i32) {
    %c0_i32 = arith.constant 0 : i32
    %c0_i32_0 = arith.constant 0 : i32
    return %c0_i32, %arg0 : i32, i32
  }
}

</mosaic_0001>

<sc_bundles>
// kernel: kernel.4.cloned.1.call-start
scs
__scs_entry_jumppad:
0x0: {  	(pc) =	sbr.rel $0x88, $3  }
0x1: {  	(tag) =	ssettag $0x0;
	lr =	simm.s32 $0x1  }
0x2: {  	[smem:$0x3F98] =	sst lr;
	_ =	strace $0xD0000000  }
0x3: {  	_ = 	snop  }
0x4: {  	_ = 	snop  }
0x5: {  	_ = 	snop  }
0x6: {  	_ = 	snop  }
0x7: {  	_ = 	snop  }
__scs_overlays_trampoline_lowered:
0x8: {  	[smem:$0x3FA7] =	sst s0  }
0x9: {  	[smem:$0x3FA8] =	sst s1  }
0xa: {  	[smem:$0x3FA9] =	sst s2  }
0xb: {  	[smem:$0x3FAA] =	sst s3  }
0xc: {  	[smem:$0x3FAB] =	sst s4  }
0xd: {  	[smem:$0x3FAC] =	sst s5  }
0xe: {  	[smem:$0x3FAD] =	sst s6  }
0xf: {  	[smem:$0x3FAE] =	sst s7  }
0x10: {  	[smem:$0x3FAF] =	sst s8  }
0x11: {  	[smem:$0x3FB0] =	sst s9;
	s0 =	simm.s32 @!p0 $0x0  }
0x12: {  	s1 =	sld [smem:$0x3F96];
	s0 =	simm.s32 @p0 $0x1  }
0x13: {  	[smem:$0x3FB1] =	sst s0;
	s0 =	simm.s32 @!p1 $0x0  }
0x14: {  	s2 =	sld [smem:$0x3F95];
	s0 =	simm.s32 @p1 $0x1  }
0x15: {  	[smem:$0x3FB2] =	sst s0;
	s0 =	simm.s32 @!p2 $0x0  }
0x16: {  	s3 =	sld [smem:$0x3FDB];
	s0 =	simm.s32 @p2 $0x1  }
0x17: {  	s4 =	simm.s32 $0x1BF5;
	[smem:$0x3FB4] =	sst s0  }
0x18: {  	s0 =	sld [smem:$0x3F97];
	_ =	swait.ge [sflag:s4], $0x0  }
0x19: {  	s7 =	sld [smem:$0x3F98]  }
0x1a: {  	s8 =	sadd.s32 $0xFFFFE003, lr  }
0x1b: {  	s9 =	sadd.s32 $0xFFFFFEF7, lr;
	s5 =	simm.s32 $0xFFFFFFFF;
	p2 =	slt.u32 s8, $0xFFFFF086  }
0x1c: {  	p1 =	slt.u32 s9, $0xF7A;
	s5 =	simm.s32 @!p2 $0x0  }
0x1d: {  	s5 =	simm.s32 @p1 $0x1;
	p0 =	seq.s32 s7, s2  }
0x1e: {  	s7 =	smul.u32 @!p0 $0xF7A, s2;
	p2 =	seq.s32 @!p0 s5, $0x0  }
0x1f: {  	s9 =	smul.u32 $0xF7A, s1;
	s8 =	simm.s32 @!p0 $0x1BF5;
	p2 =	por !p2, p0  }
0x20: {  	[sflag:s8] =	ssyncset.s32 @!p0 $0xFFFFF086;
	s6 =	sadd.s32 @!p0 s3, s7;
	s7 =	simm.s32 @!p0 $0x108  }
0x21: {  	s3 =	sadd.s32 s3, s9;
	s6 =	sadd.s32 @!p0 $0x88, s6;
	s7 =	simm.s32 @p2 $0x1082  }
0x22: {  	[simem:s7], [sflag:s8] =	dma.local @!p0 [hbm:s6], $0xF7A  }
0x23: {  	s9 =	sor.u32 $0xD0000000, s2;
	s6 =	simm.s32 $0x108;
	_ =	swait.ge @!p0 [sflag:s8], $0x0  }
0x24: {  	s3 =	sadd.s32 $0x88, s3;
	s6 =	simm.s32 @!p1 $0x1082;
	[sflag:s4] =	ssyncset.s32 $0xFFFFF086  }
0x25: {  	[simem:s6], [sflag:s4] =	dma.local [hbm:s3], $0xF7A  }
0x26: {  	[smem:$0x3F98] =	sst s1;
	(tag) =	ssettag s2;
	_ =	strace s9  }
0x27: {  	s1 =	sld [smem:$0x3FA8]  }
0x28: {  	s2 =	sld [smem:$0x3FA9]  }
0x29: {  	s4 =	sld [smem:$0x3FAB]  }
0x2a: {  	p0 =	seq.s32 s5, $0x0;
	s5 =	sld [smem:$0x3FAC]  }
0x2b: {  	s6 =	sld [smem:$0x3FAD]  }
0x2c: {  	s7 =	sld [smem:$0x3FAE]  }
0x2d: {  	s3 =	simm.s32 $0x108;
	s8 =	sld [smem:$0x3FAF]  }
0x2e: {  	s3 =	simm.s32 @!p0 $0x1082;
	s9 =	sld [smem:$0x3FB0]  }
0x2f: {  	lr =	sadd.s32 s0, s3;
	s0 =	sld [smem:$0x3FA7]  }
0x30: {  	s3 =	sld [smem:$0x3FAA]  }
0x31: {  	[smem:$0x3FB3] =	sst s10  }
0x32: {  	s10 =	sld [smem:$0x3FB1];
	_ =	sdelay $0x3  }
0x33: {  	p0 =	seq.s32 s10, $0x1;
	s10 =	sld [smem:$0x3FB3];
	_ =	sdelay $0x3  }
0x34: {  	[smem:$0x3FB3] =	sst s10  }
0x35: {  	s10 =	sld [smem:$0x3FB2];
	_ =	sdelay $0x3  }
0x36: {  	p1 =	seq.s32 s10, $0x1;
	s10 =	sld [smem:$0x3FB3];
	_ =	sdelay $0x3  }
0x37: {  	[smem:$0x3FB3] =	sst s10  }
0x38: {  	s10 =	sld [smem:$0x3FB4]  }
0x39: {  	_ = 	snop;
	(pc) =	sbr.ind lr, $3  }
0x3a: {  	_ = 	snop  }
0x3b: {  	_ = 	snop  }
0x3c: {  	p2 =	seq.s32 s10, $0x1;
	s10 =	sld [smem:$0x3FB3]  }
0x3d: {  	_ =	shalt  }
0x3e: {  	_ =	shalt  }
0x3f: {  	_ =	shalt  }
0x40: {  	_ =	shalt  }
0x41: {  	_ =	shalt  }
0x42: {  	_ =	shalt  }
0x43: {  	_ =	shalt  }
0x44: {  	_ =	shalt  }
0x45: {  	_ =	shalt  }
0x46: {  	_ =	shalt  }
0x47: {  	_ =	shalt  }
0x48: {  	_ =	shalt  }
0x49: {  	_ =	shalt  }
0x4a: {  	_ =	shalt  }
0x4b: {  	_ =	shalt  }
0x4c: {  	_ =	shalt  }
0x4d: {  	_ =	shalt  }
0x4e: {  	_ =	shalt  }
0x4f: {  	_ =	shalt  }
0x50: {  	_ =	shalt  }
0x51: {  	_ =	shalt  }
0x52: {  	_ =	shalt  }
0x53: {  	_ =	shalt  }
0x54: {  	_ =	shalt  }
0x55: {  	_ =	shalt  }
0x56: {  	_ =	shalt  }
0x57: {  	_ =	shalt  }
0x58: {  	_ =	shalt  }
0x59: {  	_ =	shalt  }
0x5a: {  	_ =	shalt  }
0x5b: {  	_ =	shalt  }
0x5c: {  	_ =	shalt  }
0x5d: {  	_ =	shalt  }
0x5e: {  	_ =	shalt  }
0x5f: {  	_ =	shalt  }
0x60: {  	_ =	shalt  }
0x61: {  	_ =	shalt  }
0x62: {  	_ =	shalt  }
0x63: {  	_ =	shalt  }
0x64: {  	_ =	shalt  }
0x65: {  	_ =	shalt  }
0x66: {  	_ =	shalt  }
0x67: {  	_ =	shalt  }
0x68: {  	_ =	shalt  }
0x69: {  	_ =	shalt  }
0x6a: {  	_ =	shalt  }
0x6b: {  	_ =	shalt  }
0x6c: {  	_ =	shalt  }
0x6d: {  	_ =	shalt  }
0x6e: {  	_ =	shalt  }
0x6f: {  	_ =	shalt  }
0x70: {  	_ =	shalt  }
0x71: {  	_ =	shalt  }
0x72: {  	_ =	shalt  }
0x73: {  	_ =	shalt  }
0x74: {  	_ =	shalt  }
0x75: {  	_ =	shalt  }
0x76: {  	_ =	shalt  }
0x77: {  	_ =	shalt  }
0x78: {  	_ =	shalt  }
0x79: {  	_ =	shalt  }
0x7a: {  	_ =	shalt  }
0x7b: {  	_ =	shalt  }
0x7c: {  	_ =	shalt  }
0x7d: {  	_ =	shalt  }
0x7e: {  	_ =	shalt  }
0x7f: {  	_ =	shalt  }
0x80: {  	_ =	shalt  }
0x81: {  	_ =	shalt  }
0x82: {  	_ =	shalt  }
0x83: {  	_ =	shalt  }
0x84: {  	_ =	shalt  }
0x85: {  	_ =	shalt  }
0x86: {  	_ =	shalt  }
0x87: {  	_ =	shalt  }
.Lfunc_end0:
.L_simem_size_0:
called_computation_lowered:
.L_overlay_start_0:
0x88: {  	s2 =	sld [smem:$0x3FD9]  }
0x89: {  	s3 =	sld [smem:$0x3FFE];
	_ =	sdelay $0x1  }
0x8a: {  	s1 =	srdreg.scid  }
0x8b: {  	s0 =	sand.u32 $0x1, s1  }
0x8c: {  	s14 =	sshll.u32 s0, $0xA;
	s2 =	sadd.s32 s3, s2  }
0x8d: {  	s2 =	sadd.s32 s2, s14  }
0x8e: {  	[smem:$0x3FBF] =	sst s2  }
0x8f: {  	_ = 	snop  }
0x90: {  	s2 =	sld [smem:$0x3FD0];
	_ =	sdelay $0x1  }
0x91: {  	s15 =	sld [smem:$0x3FC4]  }
0x92: {  	s5 =	simm.s32 $0xA;
	s6 =	simm.s32 $0x10;
	s4 =	sld [smem:$0x3FC2]  }
0x93: {  	[smem:s6], [sflag:s5] =	dma.local [hbm:s2], $0x1  }
0x94: {  	_ =	swait.eq [sflag:s5], $0x1  }
0x95: {  	[sflag:s5] =	ssyncset.done $0x0  }
0x96: {  	[sflag:s5] =	ssyncadd.s32 $0xFFFFFFFF  }
0x97: {  	s16 =	sld [smem:$0x11];
	(tm) =	ssettm $0x1  }
0x98: {  	s17 =	sld [smem:$0x3FFB];
	_ =	sdelay $0x3  }
0x99: {  	_ =	strace s17  }
0x9a: {  	s5 =	sld [smem:$0x3FFC];
	_ =	sdelay $0x3  }
0x9b: {  	_ =	strace s5  }
0x9c: {  	s5 =	sld [smem:$0x3FFD];
	_ =	sdelay $0x3  }
0x9d: {  	_ =	strace s5  }
0x9e: {  	_ =	strace $0x8FFFFFFF  }
0x9f: {  	s18 =	sld [smem:$0x3FDB];
	_ =	sdelay $0x1  }
0xa0: {  	s19 =	simm.s32 $_scs_section_size  }
0xa1: {  	s7 =	simm.s32 $_size__tile_overlayer_lowered;
	s8 =	simm.s32 $_tile_overlayer_lowered  }
0xa2: {  	s22 =	simm.s32 $0x1BFF;
	s21 =	sshll.u32 s8, $0x1;
	s5 =	sadd.s32 s19, s18  }
0xa3: {  	s9 =	simm.s32 $0x0;
	s20 =	sshll.u32 s7, $0x1;
	s7 =	sadd.s32 s21, s5  }
0xa4: {  	[timem:s9], [sflag:s22] =	dma.local [hbm:s7], s20  }
0xa5: {  	_ =	swait.ge [sflag:s22], s20  }
0xa6: {  	s6 =	ssub.s32 $0x0, s20;
	[sflag:s22] =	ssyncset.done $0x0  }
0xa7: {  	[sflag:s22] =	ssyncadd.s32 s6;
	_ =	sdelay $0x1  }
0xa8: {  	s23 =	simm.s32 $0x1B8B  }
0xa9: {  	_ =	swait.ge [sflag:s23], $0x1  }
0xaa: {  	[sflag:s23] =	ssyncset.done $0x0  }
0xab: {  	s25 =	simm.s32 $0x1B8E;
	s24 =	sld [smem:$0x3FFE];
	[sflag:s23] =	ssyncadd.s32 $0xFFFFFFFF  }
0xac: {  	s26 =	simm.s32 $execute0_lowered;
	[smem:$0x3FD2] =	sst s25  }
0xad: {  	s7 =	sshll.u32 s26, $0x1;
	_ =	strace $0x80000046;
	[dreg:$0x1] =	wrdreg $0xFFFFFFFF  }
0xae: {  	s28 =	simm.s32 $_size_execute0_lowered;
	s5 =	sadd.s32 s5, s7;
	[dreg:$0x0] =	wrdreg $0x0  }
0xaf: {  	s7 =	sshll.u32 s28, $0x1;
	[dreg:$0x2] =	wrdreg s5  }
0xb0: {  	[dreg:$0x3] =	wrdreg s7  }
0xb1: {  	[dreg:$0x4] =	wrdreg $0xC0  }
0xb2: {  	_ =	task [dreg:s9], $0x5FFFF  }
0xb3: {  	[dreg:$0x1] =	wrdreg $0xFFFFFFFF  }
0xb4: {  	[dreg:$0x0] =	wrdreg $0x60  }
0xb5: {  	[dreg:$0x2] =	wrdreg s24  }
0xb6: {  	[dreg:$0x3] =	wrdreg s15  }
0xb7: {  	[dreg:$0x4] =	wrdreg s4  }
0xb8: {  	[dreg:$0x5] =	wrdreg s16  }
0xb9: {  	[dreg:$0x6] =	wrdreg $0x9  }
0xba: {  	_ =	task.clear_ibuf [dreg:s9], $0x7FFFF;
	_ =	strace $0x90000046  }
0xbb: {  	s29 =	simm.s32 $0x9;
	_ =	strace $0x80000048  }
0xbc: {  	_ =	swait.ge [sflag:s29], $0x1  }
0xbd: {  	[sflag:s29] =	ssyncadd.s32 $0xFFFFFFFF  }
0xbe: {  	_ =	strace $0x90000048  }
0xbf: {  	_ =	sfence  }
0xc0: {  	s30 =	sld [smem:$0x0];
	_ =	sdelay $0x2  }
0xc1: {  	s31 =	sshll.u32 s1, $0xD;
	s1 =	sshrl.u32 s1, $0x2  }
0xc2: {  	s3 =	sand.u32 $0x4000, s31;
	s1 =	sadd.s32 s1, s30  }
0xc3: {  	s0 =	sor.u32 s3, s0;
	s1 =	sshll.u32 s1, $0x11  }
0xc4: {  	s0 =	sor.u32 s1, s0  }
0xc5: {  	s0 =	sadd.s32 $0x8F2B, s0  }
0xc6: {  	[sflag:s0] =	ssyncadd.remote.s32 $0x1  }
0xc7: {  	_ =	sfence.sel $0xFFFF  }
0xc8: {  	[dreg:$0x0] =	wrdreg $0xFFFFFFFF;
	(pc) =	sbr.abs _section_cstart, $3  }
0xc9: {  	[dreg:$0x1] =	wrdreg $0xFFFFFFFF  }
0xca: {  	_ =	task.clear_ibuf [dreg:s9], $0x2FFFF;
	_ =	strace $0x9FFFFFFF  }
0xcb: {  	(tm) =	ssettm $0x7FFFFFFF  }
tec
execute0_lowered:
.L_overlay_start_1:
0x0: {  	(tag) =	ssettag $0x1  }
0x1: {  	s5 =	rddreg [dreg:$0x0]  }
0x2: {  	s1 =	rddreg [dreg:$0x1]  }
0x3: {  	s2 =	rddreg [dreg:$0x2]  }
0x4: {  	s3 =	rddreg [dreg:$0x3]  }
0x5: {  	s0 =	rddreg [dreg:$0x4];
	s4 =	simm.s32 $0x0  }
0x6: {  	s6 =	srdreg.scid;
	s13 =	simm.s32 $0x0;
	[smem:$0x7FF] =	sst s4  }
0x7: {  	s7 =	sand.u32 $0x1, s6;
	s6 =	sadd.s32 $0x1000, s5;
	s5 =	stileid.u32  }
.Ltmp0:
0x8: {  	_ =	strace $0x80000047;
	s8 =	ssub.s32 $0x2, s7;
	(pc) =	sbr.rel .LBB2_1-.Ltmp0, $4  }
0x9: {  	s31 =	sshll.u32 s5, $0x10;
	s10 =	sshll.u32 s7, $0xF;
	s11 =	sshll.u32 s5, $0xC  }
0xa: {  	s12 =	sshll.u32 s7, $0xB;
	s9 =	sshrl.u32 s8, $0x1;
	s7 =	sor.u32 s10, s31  }
0xb: {  	s9 =	ssub.s32 s8, s9;
	s8 =	sor.u32 s12, s11;
	s10 =	sadd.s32 s2, s7  }
0xc: {  	s11 =	simm.s32 $0x8000;
	s12 =	simm.s32 $0x1;
	s9 =	smax.u32 s9, $0x1  }
.LBB2_8:
0xd: {  	s13 =	sadd.s32 $0x1, s13  }
0xe: {  	p0 =	sne.s32 s13, s9  }
.Ltmp1:
0xf: {  	_ = 	snop;
	(pc) =	sbr.rel @!p0 .LBB2_9-.Ltmp1, $1  }
0x10: {  	_ =	sdelay $0x3  }
.LBB2_1:
0x11: {  	[tilespmem:s11], [sflag:$0x1] =	stream.linear.gather [hbm4b:s6+s4], $0x80, $0x38;
	[tilespmem:$0x8080] =	vst v63  }
0x12: {  	_ =	swait.ge [sflag:s12], $0x80  }
0x13: {  	[sflag:s12] =	ssyncset.done $0x0  }
0x14: {  	[sflag:s12] =	ssyncadd.s32 $0xFFFFFF80  }
0x15: {  	v0 =	vld [tilespmem:$0x8000];
	_ =	sdelay $0x4  }
0x16: {  	v0 =	vxor.u32 $0x80000000, v0  }
0x17: {  	(xrf0) =	vmax.scan.msk.u32 $0xffff, v0;
	_ =	sdelay $0x5  }
0x18: {  	v0, _, _ =	vpop (xrf0)  }
0x19: {  	(v2sf) =	vpush v0, $0xF;
	_ =	sdelay $0xc  }
.Ltmp2:
0x1a: {  	_ = 	snop;
	(pc) =	sbr.rel .LBB2_2-.Ltmp2, $4  }
0x1b: {  	_ = 	snop  }
0x1c: {  	s17 =	smov.u32 s8;
	s15 =	spop (v2sf)  }
0x1d: {  	s18 =	smov.u32 s10;
	s19 =	simm.s32 $0x0;
	s16 =	sshll.u32 s15, $0x4  }
0x1e: {  	s14 =	sxor.u32 $0x80000000, s15;
	s15 =	sadd.s32 $0x80001000, s15;
	s16 =	ssub.s32 s7, s16  }
.LBB2_6:
0x1f: {  	s21 =	sshll.u32 s20, $0x4  }
0x20: {  	s21 =	sadd.s32 s2, s21  }
0x21: {  	[tilespmem:s4], [sflag:$0x1] =	stream.linear.gather [hbm4b:s21+s4], $0x8000, $0x38;
	[tilespmem:$0x8080] =	vst v63  }
0x22: {  	_ =	swait.ge [sflag:s12], $0x8000  }
0x23: {  	[sflag:s12] =	ssyncset.done $0x0  }
0x24: {  	[sflag:s12] =	ssyncadd.s32 $0xFFFF8000  }
.LBB2_7:
0x25: {  	s19 =	sadd.s32 $0x1, s19  }
0x26: {  	s20 =	sshll.u32 s20, $0x4;
	p0 =	sne.s32 s19, $0x8  }
.Ltmp3:
0x27: {  	s20 =	sadd.s32 s3, s20;
	(pc) =	sbr.rel @!p0 .LBB2_8-.Ltmp3, $4  }
0x28: {  	[hbm4b:s20+s4] =	stream.linear.scatter [tilespmem:s4], [sflag:$0x1], $0x8000, $0x38;
	[tilespmem:$0x8080] =	vst v63  }
0x29: {  	_ =	swait.ge [sflag:s12], $0x8000  }
0x2a: {  	s16 =	sadd.s32 $0x1000, s16;
	[sflag:s12] =	ssyncset.done $0x0  }
0x2b: {  	s18 =	sadd.s32 $0x1000, s18;
	s17 =	sadd.s32 $0x100, s17;
	[sflag:s12] =	ssyncadd.s32 $0xFFFF8000  }
.LBB2_2:
0x2c: {  	s20 =	sshll.u32 s19, $0x8  }
0x2d: {  	s20 =	sadd.s32 s8, s20  }
0x2e: {  	p0 =	slt.s32 s20, s14;
	s21 =	sadd.s32 $0x100, s20  }
0x2f: {  	p2 =	slt.s32 s20, s15;
	p1 =	sgt.s32 s21, s14;
	p3 =	sle.s32 @!p0 s21, s15  }
0x30: {  	p1 =	por !p2, !p1;
	p2 =	por p0, !p3  }
.Ltmp4:
0x31: {  	_ = 	snop;
	(pc) =	sbr.rel @p2 .LBB2_3-.Ltmp4, $2  }
0x32: {  	_ =	sdelay $0x2  }
0x33: {  	p0 =	por !p1, !p1  }
0x34: {  	s21 =	ssub.s32 s20, s14  }
0x35: {  	s21 =	sshll.u32 s21, $0x4  }
0x36: {  	s21 =	sand.u32 $0xFFFFF80, s21  }
0x37: {  	s21 =	sadd.s32 s1, s21  }
0x38: {  	[tilespmem:s4], [sflag:$0x1] =	stream.linear.gather [hbm4b:s21+s4], $0x8000, $0x38;
	[tilespmem:$0x8080] =	vst v63  }
.Ltmp5:
0x39: {  	_ = 	snop;
	(pc) =	sbr.rel @p0 .LBB2_7-.Ltmp5, $4  }
.Ltmp6:
0x3a: {  	_ = 	snop;
	(pc) =	sbr.rel @!p0 .LBB2_6-.Ltmp6, $4  }
0x3b: {  	_ =	swait.ge [sflag:s12], $0x8000  }
0x3c: {  	[sflag:s12] =	ssyncset.done $0x0  }
0x3d: {  	[sflag:s12] =	ssyncadd.s32 $0xFFFF8000  }
0x3e: {  	_ = 	snop  }
.LBB2_3:
.Ltmp7:
0x3f: {  	(pc) =	sbr.rel @!p0 .LBB2_6-.Ltmp7, $2  }
0x40: {  	_ =	sdelay $0x2  }
0x41: {  	s21 =	simm.s32 $0x0;
	s22 =	smov.u32 s17;
	s23 =	simm.s32 $0x0  }
.LBB2_4:
0x42: {  	p0 =	slt.s32 s22, s14  }
0x43: {  	p1 =	sge.s32 @!p0 s22, s15  }
0x44: {  	p0 =	por p0, p1  }
0x45: {  	s24 =	sadd.s32 @p0 s21, s18  }
0x46: {  	[tilespmem:s23], [sflag:$0x1] =	stream.linear.gather @p0 [hbm4b:s24+s4], $0x400, $0x38;
	[tilespmem:$0x8080] =	vst v63  }
0x47: {  	s24 =	simm.s32 @p0 $0x1  }
0x48: {  	s24 =	sadd.s32 @!p0 s21, s16  }
0x49: {  	s24 =	sand.u32 @!p0 $0xFFFFF80, s24  }
0x4a: {  	s21 =	sadd.s32 $0x80, s21;
	s24 =	sadd.s32 @!p0 s1, s24  }
0x4b: {  	[tilespmem:s23], [sflag:$0x2] =	stream.linear.gather @!p0 [hbm4b:s24+s4], $0x400, $0x38;
	[tilespmem:$0x8080] =	vst v63  }
0x4c: {  	s24 =	simm.s32 @!p0 $0x2;
	p0 =	sne.s32 s21, $0x1000  }
.Ltmp8:
0x4d: {  	_ = 	snop;
	(pc) =	sbr.rel @p0 .LBB2_4-.Ltmp8, $4  }
0x4e: {  	_ = 	snop  }
0x4f: {  	_ =	swait.ge [sflag:s24], $0x400  }
0x50: {  	[sflag:s24] =	ssyncset.done $0x0  }
0x51: {  	s22 =	sadd.s32 $0x8, s22;
	s23 =	sadd.s32 $0x400, s23;
	[sflag:s24] =	ssyncadd.s32 $0xFFFFFC00  }
.Ltmp9:
0x52: {  	_ = 	snop;
	(pc) =	sbr.rel .LBB2_7-.Ltmp9, $1  }
0x53: {  	_ =	sdelay $0x3  }
.LBB2_9:
0x54: {  	_ =	sfence.sel $0x180000  }
0x55: {  	[bflag:$0x0] =	sbarrier.arrive $0xFFFF  }
0x56: {  	p0 =	sne.s32 s5, $0x0;
	_ =	strace $0x90000047  }
0x57: {  	s0 =	sadd.s32 @!p0 $0x100000, s0;
	[bflag:$0x2] =	sbarrier.arrive $0xFFFF  }
0x58: {  	[sflag:s0] =	ssyncadd.tile.s32 @!p0 $0x1;
	_ =	shalt  }
.Lfunc_end2:
_tile_overlayer_lowered:
.L_overlay_start_2:
0x59: {  	(tag) =	ssettag $0x2  }
0x5a: {  	s0 =	rddreg [dreg:$0x0];
	s2 =	stileid.u32  }
0x5b: {  	s1 =	rddreg [dreg:$0x1];
	p0 =	sne.s32 s2, $0x0  }
0x5c: {  	s3 =	rddreg [dreg:$0x2];
	[bflag:$0x3] =	sbarrier.arrive $0xFFFF;
	s2 =	simm.s32 @!p0 $0x1C01  }
0x5d: {  	[timem:s3], [sflag:s2] =	dma.local @!p0 [hbm:s0], s1  }
0x5e: {  	s0 =	simm.s32 @!p0 $0x1  }
0x5f: {  	_ =	swait.ge @!p0 [sflag:s0], s1  }
0x60: {  	s1 =	ssub.s32 @!p0 $0x0, s1;
	[sflag:s0] =	ssyncset.done @!p0 $0x0  }
0x61: {  	[sflag:s0] =	ssyncadd.s32 @!p0 s1  }
0x62: {  	[bflag:$0x3] =	sbarrier.arrive $0xFFFF  }
0x63: {  	_ =	shalt  }

</sc_bundles>
